<compile_context>
chip_gen: v7x
topology: tpu7x:2x2x1
jax: 0.10.2.dev20260603
libtpu: 0.0.44.dev20260713+nightly
codegen_flags: <defaults>
</compile_context>

<pallas_src>
import jax
import jax.numpy as jnp
from jax.experimental import pallas as pl


def _lvl0_body(cls7_ref, cls8_ref, Wh_ref, bh_ref, Cn0_ref, b0t_ref,
               logits0_ref, probs0_ref):
    feat = (
        jax.lax.dot_general(cls7_ref[...], Wh_ref[0:768, :],
                            (((1,), (0,)), ((), ())),
                            preferred_element_type=jnp.float32)
        + jax.lax.dot_general(cls8_ref[...], Wh_ref[768:1536, :],
                              (((1,), (0,)), ((), ())),
                              preferred_element_type=jnp.float32)
        + bh_ref[...]
    )
    logits0 = jax.lax.dot_general(feat, Cn0_ref[...],
                                  (((1,), (1,)), ((), ())),
                                  preferred_element_type=jnp.float32)
    logits0 = logits0 + b0t_ref[...]
    logits0_ref[...] = logits0
    probs0_ref[...] = jax.nn.sigmoid(logits0)


def kernel(cls7, cls8, cls10, cls12, Wh, bh, Cn0, Cn1, Cn2, b0, b1, b2,
           clusters0, clusters1):
    B, D = cls7.shape
    L0 = Cn0.shape[0]
    K1, K2 = 128, 256
    C0 = clusters0.shape[1]
    C1 = clusters1.shape[1]

    logits0, probs0 = pl.pallas_call(
        _lvl0_body,
        out_shape=(
            jax.ShapeDtypeStruct((B, L0), jnp.float32),
            jax.ShapeDtypeStruct((B, L0), jnp.float32),
        ),
    )(cls7, cls8, Wh, bh[None, :], Cn0, b0.T)

    scores1, idx1 = jax.lax.top_k(logits0, K1)
    cands1 = jnp.take(clusters0, idx1, axis=0).reshape(B, K1 * C0)
    gsc1 = jnp.broadcast_to(scores1[:, :, None], (B, K1, C0)).reshape(B, K1 * C0)
    w1 = jnp.take(Cn1, cands1, axis=0)
    logits1 = jnp.einsum('bnd,bd->bn', w1, cls10) + jnp.take(b1, cands1, axis=0)[..., 0]
    probs1 = jax.nn.sigmoid(logits1)
    weighted1 = probs1 * gsc1

    scores2, idx2 = jax.lax.top_k(logits1, K2)
    idx2m = jnp.take_along_axis(cands1, idx2, axis=1)
    cands2 = jnp.take(clusters1, idx2m, axis=0).reshape(B, K2 * C1)
    gsc2 = jnp.broadcast_to(scores2[:, :, None], (B, K2, C1)).reshape(B, K2 * C1)
    w2 = jnp.take(Cn2, cands2, axis=0)
    logits2 = jnp.einsum('bnd,bd->bn', w2, cls12) + jnp.take(b2, cands2, axis=0)[..., 0]
    csc2 = jax.nn.sigmoid(jnp.where(logits2 == 0.0, -jnp.inf, logits2))
    weighted2 = csc2 * gsc2
    return (weighted2, cands2, weighted1, cands1, probs0)

# --- scband reference (transcript-rebuilt; emitter-appended) ---
"""Pipeline reference for scband-cascade-xml-16535624089796 (READ-ONLY COPY).

The authoritative reference and input builder live on the scoring server;
editing this copy changes nothing except your own understanding.
"""

import jax, jax.numpy as jnp
import numpy as np

B = 16
D = 768
L0, L1, L2 = 1024, 8192, 65536
C0, C1 = 8, 8
K1, K2 = 128, 256


def setup_inputs(seed: int = 0) -> dict:
    key = jax.random.key(seed)
    ks = jax.random.split(key, 10)
    s = 0.02
    inp = {}
    # CLS features from BERT hidden layers (7,8) -> level0 concat, 10 -> level1, 12 -> level2
    inp["cls7"] = jax.random.normal(ks[0], (B, D), jnp.float32)
    inp["cls8"] = jax.random.normal(ks[1], (B, D), jnp.float32)
    inp["cls10"] = jax.random.normal(ks[2], (B, D), jnp.float32)
    inp["cls12"] = jax.random.normal(ks[3], (B, D), jnp.float32)
    # Cn_hidden: Linear(2*D -> D)
    inp["Wh"] = jax.random.normal(ks[4], (2 * D, D), jnp.float32) * s
    inp["bh"] = jnp.zeros((D,), jnp.float32)
    # Cn label-embedding classifiers per level (last has padding row = num_labels, zero-filled)
    inp["Cn0"] = jax.random.normal(ks[5], (L0, D), jnp.float32) * s
    inp["Cn1"] = jax.random.normal(ks[6], (L1, D), jnp.float32) * s
    Cn2 = jax.random.normal(ks[7], (L2 + 1, D), jnp.float32) * s
    inp["Cn2"] = Cn2.at[-1].set(0.0)
    # Cn_bias embeddings (init to 0 as in torch code)
    inp["b0"] = jnp.zeros((L0, 1), jnp.float32)
    inp["b1"] = jnp.zeros((L1, 1), jnp.float32)
    inp["b2"] = jnp.zeros((L2 + 1, 1), jnp.float32)
    # balanced cluster tree: each meta-label owns 8 consecutive children (no padding needed)
    inp["clusters0"] = jnp.arange(L1, dtype=jnp.int32).reshape(L0, C0)
    inp["clusters1"] = jnp.arange(L2, dtype=jnp.int32).reshape(L1, C1)
    return inp


def reference(cls7, cls8, cls10, cls12, Wh, bh, Cn0, Cn1, Cn2, b0, b1, b2, clusters0, clusters1):
    # ---- level 0: full scoring over meta-meta labels ----
    # feat_maker recipe (7,8): concat CLS tokens -> Cn_hidden linear
    feat0 = jnp.concatenate([cls7, cls8], axis=1) @ Wh + bh  # [B, D]
    # candidates = arange(L0) for every row; embed(candidates) @ feat == dense matmul
    logits0 = feat0 @ Cn0.T + b0[:, 0][None, :]  # [B, L0]
    probs0 = jax.nn.sigmoid(logits0)

    # ---- level 1: get_candidates(level=1) ----
    scores1, idx1 = jax.lax.top_k(logits0, K1)            # [B, K1]
    # prev_cands is arange(L0) -> gather is identity; expand via clusters
    cands1 = jnp.take(clusters0, idx1, axis=0).reshape(B, K1 * C0)  # [B, 1024]
    gsc1 = jnp.broadcast_to(scores1[:, :, None], (B, K1, C0)).reshape(B, K1 * C0)
    w1 = jnp.take(Cn1, cands1, axis=0)                    # [B, 1024, D]
    logits1 = jnp.einsum('bnd,bd->bn', w1, cls10) + jnp.take(b1, cands1, axis=0)[..., 0]
    probs1 = jax.nn.sigmoid(logits1)
    weighted1 = probs1 * gsc1

    # ---- level 2 (final): get_candidates(level=2) ----
    scores2, idx2 = jax.lax.top_k(logits1, K2)            # [B, K2]
    idx2m = jnp.take_along_axis(cands1, idx2, axis=1)     # map shortlist to cluster ids
    cands2 = jnp.take(clusters1, idx2m, axis=0).reshape(B, K2 * C1)  # [B, 2048]
    gsc2 = jnp.broadcast_to(scores2[:, :, None], (B, K2, C1)).reshape(B, K2 * C1)
    w2 = jnp.take(Cn2, cands2, axis=0)                    # [B, 2048, D]
    logits2 = jnp.einsum('bnd,bd->bn', w2, cls12) + jnp.take(b2, cands2, axis=0)[..., 0]
    csc2 = jax.nn.sigmoid(jnp.where(logits2 == 0.0, -jnp.inf, logits2))
    weighted2 = csc2 * gsc2
    return (weighted2, cands2, weighted1, cands1, probs0)

if __name__ == "__main__":
    import jax
    _d = setup_inputs()
    print(jax.jit(kernel)(*tuple(_d.values())))

</pallas_src>

<mosaic_0001>
module attributes {stable_mosaic.version = 14 : i64} {
  func.func @_lvl0_body(%arg0: memref<16x768xf32, #tpu.memory_space<vmem>>, %arg1: memref<16x768xf32, #tpu.memory_space<vmem>>, %arg2: memref<1536x768xf32, #tpu.memory_space<vmem>>, %arg3: memref<1x768xf32, #tpu.memory_space<vmem>>, %arg4: memref<1024x768xf32, #tpu.memory_space<vmem>>, %arg5: memref<1x1024xf32, #tpu.memory_space<vmem>>, %arg6: memref<16x1024xf32, #tpu.memory_space<vmem>>, %arg7: memref<16x1024xf32, #tpu.memory_space<vmem>>) attributes {dimension_semantics = [], scalar_prefetch = 0 : i64, scratch_operands = 0 : i64, tpu.core_type = #tpu.core_type<tc>} {
    %get3A = arith.constant 0 : index
    %get3A_0 = arith.constant 0 : index
    %get3A_1 = vector.load %arg0[%get3A, %get3A_0] : memref<16x768xf32, #tpu.memory_space<vmem>>, vector<16x768xf32>
    %get3A_2 = arith.constant 0 : index
    %get3A_3 = arith.constant 0 : index
    %get3A_4 = vector.load %arg2[%get3A_2, %get3A_3] : memref<1536x768xf32, #tpu.memory_space<vmem>>, vector<768x768xf32>
    %dot_general3A = arith.constant dense<0.000000e+00> : vector<16x768xf32>
    %dot_general3A_5 = tpu.matmul %get3A_1, %get3A_4, %dot_general3A {dimension_numbers = #tpu.dot_dimension_numbers<[1], [0], [0], [1], [0, 0, 1, 1], [], []>, transpose_lhs_hint = false} : vector<16x768xf32>, vector<768x768xf32>, vector<16x768xf32> -> vector<16x768xf32>
    %get3A_6 = arith.constant 0 : index
    %get3A_7 = arith.constant 0 : index
    %get3A_8 = vector.load %arg1[%get3A_6, %get3A_7] : memref<16x768xf32, #tpu.memory_space<vmem>>, vector<16x768xf32>
    %get3A_9 = arith.constant 768 : index
    %get3A_10 = arith.constant 0 : index
    %get3A_11 = vector.load %arg2[%get3A_9, %get3A_10] : memref<1536x768xf32, #tpu.memory_space<vmem>>, vector<768x768xf32>
    %dot_general3A_12 = arith.constant dense<0.000000e+00> : vector<16x768xf32>
    %dot_general3A_13 = tpu.matmul %get3A_8, %get3A_11, %dot_general3A_12 {dimension_numbers = #tpu.dot_dimension_numbers<[1], [0], [0], [1], [0, 0, 1, 1], [], []>, transpose_lhs_hint = false} : vector<16x768xf32>, vector<768x768xf32>, vector<16x768xf32> -> vector<16x768xf32>
    %add3A = arith.addf %dot_general3A_5, %dot_general3A_13 : vector<16x768xf32>
    %get3A_14 = arith.constant 0 : index
    %get3A_15 = arith.constant 0 : index
    %get3A_16 = vector.load %arg3[%get3A_14, %get3A_15] : memref<1x768xf32, #tpu.memory_space<vmem>>, vector<1x768xf32>
    %add3A_17 = vector.broadcast %get3A_16 : vector<1x768xf32> to vector<16x768xf32>
    %add3A_18 = arith.addf %add3A, %add3A_17 : vector<16x768xf32>
    %get3A_19 = arith.constant 0 : index
    %get3A_20 = arith.constant 0 : index
    %get3A_21 = vector.load %arg4[%get3A_19, %get3A_20] : memref<1024x768xf32, #tpu.memory_space<vmem>>, vector<1024x768xf32>
    %dot_general3A_22 = arith.constant dense<0.000000e+00> : vector<16x1024xf32>
    %dot_general3A_23 = tpu.matmul %add3A_18, %get3A_21, %dot_general3A_22 {dimension_numbers = #tpu.dot_dimension_numbers<[1], [1], [0], [0], [0, 0, 1, 0], [], []>, transpose_lhs_hint = false} : vector<16x768xf32>, vector<1024x768xf32>, vector<16x1024xf32> -> vector<16x1024xf32>
    %get3A_24 = arith.constant 0 : index
    %get3A_25 = arith.constant 0 : index
    %get3A_26 = vector.load %arg5[%get3A_24, %get3A_25] : memref<1x1024xf32, #tpu.memory_space<vmem>>, vector<1x1024xf32>
    %add3A_27 = vector.broadcast %get3A_26 : vector<1x1024xf32> to vector<16x1024xf32>
    %add3A_28 = arith.addf %dot_general3A_23, %add3A_27 : vector<16x1024xf32>
    %swap3A = arith.constant 0 : index
    %swap3A_29 = arith.constant 0 : index
    %swap3A_30 = vector.load %arg6[%swap3A, %swap3A_29] : memref<16x1024xf32, #tpu.memory_space<vmem>>, vector<16x1024xf32>
    tpu.vector_store %arg6[%swap3A, %swap3A_29], %add3A_28 {strides = array<i32>} : memref<16x1024xf32, #tpu.memory_space<vmem>>, vector<16x1024xf32>,
    %logistic3A = arith.negf %add3A_28 : vector<16x1024xf32>
    %logistic3A_31 = math.exp %logistic3A : vector<16x1024xf32>
    %logistic3A_32 = arith.constant 1.000000e+00 : f32
    %logistic3A_33 = vector.broadcast %logistic3A_32 : f32 to vector<16x1024xf32>
    %logistic3A_34 = arith.addf %logistic3A_33, %logistic3A_31 : vector<16x1024xf32>
    %logistic3A_35 = arith.divf %logistic3A_33, %logistic3A_34 : vector<16x1024xf32>
    %swap3A_36 = arith.constant 0 : index
    %swap3A_37 = arith.constant 0 : index
    %swap3A_38 = vector.load %arg7[%swap3A_36, %swap3A_37] : memref<16x1024xf32, #tpu.memory_space<vmem>>, vector<16x1024xf32>
    tpu.vector_store %arg7[%swap3A_36, %swap3A_37], %logistic3A_35 {strides = array<i32>} : memref<16x1024xf32, #tpu.memory_space<vmem>>, vector<16x1024xf32>,
    return
  }
}

</mosaic_0001>

<sc_bundles>
// kernel: gather_offload_async_start.1
scs
__scs_entry_jumppad:
0x0: {  	(pc) =	sbr.rel $0x88, $3  }
0x1: {  	(tag) =	ssettag $0x0;
	lr =	simm.s32 $0x1  }
0x2: {  	[smem:$0x3F93] =	sst lr;
	_ =	strace $0xD0000000  }
0x3: {  	_ = 	snop  }
0x4: {  	_ = 	snop  }
0x5: {  	_ = 	snop  }
0x6: {  	_ = 	snop  }
0x7: {  	_ = 	snop  }
__scs_overlays_trampoline_lowered:
0x8: {  	[smem:$0x3FA2] =	sst s0  }
0x9: {  	[smem:$0x3FA3] =	sst s1  }
0xa: {  	[smem:$0x3FA4] =	sst s2  }
0xb: {  	[smem:$0x3FA5] =	sst s3  }
0xc: {  	[smem:$0x3FA6] =	sst s4  }
0xd: {  	[smem:$0x3FA7] =	sst s5  }
0xe: {  	[smem:$0x3FA8] =	sst s6  }
0xf: {  	[smem:$0x3FA9] =	sst s7  }
0x10: {  	[smem:$0x3FAA] =	sst s8  }
0x11: {  	[smem:$0x3FAB] =	sst s9;
	s0 =	simm.s32 @!p0 $0x0  }
0x12: {  	s1 =	sld [smem:$0x3F91];
	s0 =	simm.s32 @p0 $0x1  }
0x13: {  	[smem:$0x3FAC] =	sst s0;
	s0 =	simm.s32 @!p1 $0x0  }
0x14: {  	s2 =	sld [smem:$0x3F90];
	s0 =	simm.s32 @p1 $0x1  }
0x15: {  	[smem:$0x3FAD] =	sst s0;
	s0 =	simm.s32 @!p2 $0x0  }
0x16: {  	s3 =	sld [smem:$0x3FDB];
	s0 =	simm.s32 @p2 $0x1  }
0x17: {  	s4 =	simm.s32 $0x1BF5;
	[smem:$0x3FAF] =	sst s0  }
0x18: {  	s0 =	sld [smem:$0x3F92];
	_ =	swait.ge [sflag:s4], $0x0  }
0x19: {  	s7 =	sld [smem:$0x3F93]  }
0x1a: {  	s8 =	sadd.s32 $0xFFFFE003, lr  }
0x1b: {  	s9 =	sadd.s32 $0xFFFFFEF7, lr;
	s5 =	simm.s32 $0xFFFFFFFF;
	p2 =	slt.u32 s8, $0xFFFFF086  }
0x1c: {  	p1 =	slt.u32 s9, $0xF7A;
	s5 =	simm.s32 @!p2 $0x0  }
0x1d: {  	s5 =	simm.s32 @p1 $0x1;
	p0 =	seq.s32 s7, s2  }
0x1e: {  	s7 =	smul.u32 @!p0 $0xF7A, s2;
	p2 =	seq.s32 @!p0 s5, $0x0  }
0x1f: {  	s9 =	smul.u32 $0xF7A, s1;
	s8 =	simm.s32 @!p0 $0x1BF5;
	p2 =	por !p2, p0  }
0x20: {  	[sflag:s8] =	ssyncset.s32 @!p0 $0xFFFFF086;
	s6 =	sadd.s32 @!p0 s3, s7;
	s7 =	simm.s32 @!p0 $0x108  }
0x21: {  	s3 =	sadd.s32 s3, s9;
	s6 =	sadd.s32 @!p0 $0x88, s6;
	s7 =	simm.s32 @p2 $0x1082  }
0x22: {  	[simem:s7], [sflag:s8] =	dma.local @!p0 [hbm:s6], $0xF7A  }
0x23: {  	s9 =	sor.u32 $0xD0000000, s2;
	s6 =	simm.s32 $0x108;
	_ =	swait.ge @!p0 [sflag:s8], $0x0  }
0x24: {  	s3 =	sadd.s32 $0x88, s3;
	s6 =	simm.s32 @!p1 $0x1082;
	[sflag:s4] =	ssyncset.s32 $0xFFFFF086  }
0x25: {  	[simem:s6], [sflag:s4] =	dma.local [hbm:s3], $0xF7A  }
0x26: {  	[smem:$0x3F93] =	sst s1;
	(tag) =	ssettag s2;
	_ =	strace s9  }
0x27: {  	s1 =	sld [smem:$0x3FA3]  }
0x28: {  	s2 =	sld [smem:$0x3FA4]  }
0x29: {  	s4 =	sld [smem:$0x3FA6]  }
0x2a: {  	p0 =	seq.s32 s5, $0x0;
	s5 =	sld [smem:$0x3FA7]  }
0x2b: {  	s6 =	sld [smem:$0x3FA8]  }
0x2c: {  	s7 =	sld [smem:$0x3FA9]  }
0x2d: {  	s3 =	simm.s32 $0x108;
	s8 =	sld [smem:$0x3FAA]  }
0x2e: {  	s3 =	simm.s32 @!p0 $0x1082;
	s9 =	sld [smem:$0x3FAB]  }
0x2f: {  	lr =	sadd.s32 s0, s3;
	s0 =	sld [smem:$0x3FA2]  }
0x30: {  	s3 =	sld [smem:$0x3FA5]  }
0x31: {  	[smem:$0x3FAE] =	sst s10  }
0x32: {  	s10 =	sld [smem:$0x3FAC];
	_ =	sdelay $0x3  }
0x33: {  	p0 =	seq.s32 s10, $0x1;
	s10 =	sld [smem:$0x3FAE];
	_ =	sdelay $0x3  }
0x34: {  	[smem:$0x3FAE] =	sst s10  }
0x35: {  	s10 =	sld [smem:$0x3FAD];
	_ =	sdelay $0x3  }
0x36: {  	p1 =	seq.s32 s10, $0x1;
	s10 =	sld [smem:$0x3FAE];
	_ =	sdelay $0x3  }
0x37: {  	[smem:$0x3FAE] =	sst s10  }
0x38: {  	s10 =	sld [smem:$0x3FAF]  }
0x39: {  	_ = 	snop;
	(pc) =	sbr.ind lr, $3  }
0x3a: {  	_ = 	snop  }
0x3b: {  	_ = 	snop  }
0x3c: {  	p2 =	seq.s32 s10, $0x1;
	s10 =	sld [smem:$0x3FAE]  }
0x3d: {  	_ =	shalt  }
0x3e: {  	_ =	shalt  }
0x3f: {  	_ =	shalt  }
0x40: {  	_ =	shalt  }
0x41: {  	_ =	shalt  }
0x42: {  	_ =	shalt  }
0x43: {  	_ =	shalt  }
0x44: {  	_ =	shalt  }
0x45: {  	_ =	shalt  }
0x46: {  	_ =	shalt  }
0x47: {  	_ =	shalt  }
0x48: {  	_ =	shalt  }
0x49: {  	_ =	shalt  }
0x4a: {  	_ =	shalt  }
0x4b: {  	_ =	shalt  }
0x4c: {  	_ =	shalt  }
0x4d: {  	_ =	shalt  }
0x4e: {  	_ =	shalt  }
0x4f: {  	_ =	shalt  }
0x50: {  	_ =	shalt  }
0x51: {  	_ =	shalt  }
0x52: {  	_ =	shalt  }
0x53: {  	_ =	shalt  }
0x54: {  	_ =	shalt  }
0x55: {  	_ =	shalt  }
0x56: {  	_ =	shalt  }
0x57: {  	_ =	shalt  }
0x58: {  	_ =	shalt  }
0x59: {  	_ =	shalt  }
0x5a: {  	_ =	shalt  }
0x5b: {  	_ =	shalt  }
0x5c: {  	_ =	shalt  }
0x5d: {  	_ =	shalt  }
0x5e: {  	_ =	shalt  }
0x5f: {  	_ =	shalt  }
0x60: {  	_ =	shalt  }
0x61: {  	_ =	shalt  }
0x62: {  	_ =	shalt  }
0x63: {  	_ =	shalt  }
0x64: {  	_ =	shalt  }
0x65: {  	_ =	shalt  }
0x66: {  	_ =	shalt  }
0x67: {  	_ =	shalt  }
0x68: {  	_ =	shalt  }
0x69: {  	_ =	shalt  }
0x6a: {  	_ =	shalt  }
0x6b: {  	_ =	shalt  }
0x6c: {  	_ =	shalt  }
0x6d: {  	_ =	shalt  }
0x6e: {  	_ =	shalt  }
0x6f: {  	_ =	shalt  }
0x70: {  	_ =	shalt  }
0x71: {  	_ =	shalt  }
0x72: {  	_ =	shalt  }
0x73: {  	_ =	shalt  }
0x74: {  	_ =	shalt  }
0x75: {  	_ =	shalt  }
0x76: {  	_ =	shalt  }
0x77: {  	_ =	shalt  }
0x78: {  	_ =	shalt  }
0x79: {  	_ =	shalt  }
0x7a: {  	_ =	shalt  }
0x7b: {  	_ =	shalt  }
0x7c: {  	_ =	shalt  }
0x7d: {  	_ =	shalt  }
0x7e: {  	_ =	shalt  }
0x7f: {  	_ =	shalt  }
0x80: {  	_ =	shalt  }
0x81: {  	_ =	shalt  }
0x82: {  	_ =	shalt  }
0x83: {  	_ =	shalt  }
0x84: {  	_ =	shalt  }
0x85: {  	_ =	shalt  }
0x86: {  	_ =	shalt  }
0x87: {  	_ =	shalt  }
.Lfunc_end0:
.L_simem_size_0:
called_computation.1_lowered:
.L_overlay_start_0:
0x88: {  	s2 =	sld [smem:$0x3FD9]  }
0x89: {  	s3 =	sld [smem:$0x3FFE];
	_ =	sdelay $0x1  }
0x8a: {  	s1 =	srdreg.scid  }
0x8b: {  	s0 =	sand.u32 $0x1, s1  }
0x8c: {  	s14 =	sshll.u32 s0, $0xA;
	s2 =	sadd.s32 s3, s2  }
0x8d: {  	s2 =	sadd.s32 s2, s14  }
0x8e: {  	[smem:$0x3FBA] =	sst s2  }
0x8f: {  	_ = 	snop  }
0x90: {  	s2 =	sld [smem:$0x3FD0];
	_ =	sdelay $0x2  }
0x91: {  	s15 =	simm.s32 $0xA;
	s4 =	simm.s32 $0x10  }
0x92: {  	[smem:s4], [sflag:s15] =	dma.local [hbm:s2], $0x1  }
0x93: {  	_ =	swait.eq [sflag:s15], $0x1  }
0x94: {  	[sflag:s15] =	ssyncset.done $0x0  }
0x95: {  	[sflag:s15] =	ssyncadd.s32 $0xFFFFFFFF  }
0x96: {  	s16 =	sld [smem:$0x10];
	(tm) =	ssettm $0x1  }
0x97: {  	s17 =	sld [smem:$0x3FFB];
	_ =	sdelay $0x3  }
0x98: {  	_ =	strace s17  }
0x99: {  	s3 =	sld [smem:$0x3FFC];
	_ =	sdelay $0x3  }
0x9a: {  	_ =	strace s3  }
0x9b: {  	s3 =	sld [smem:$0x3FFD];
	_ =	sdelay $0x3  }
0x9c: {  	_ =	strace s3  }
0x9d: {  	_ =	strace $0x8FFFFFFF  }
0x9e: {  	s18 =	sld [smem:$0x3FDB];
	_ =	sdelay $0x1  }
0x9f: {  	s19 =	simm.s32 $_scs_section_size  }
0xa0: {  	s5 =	simm.s32 $_size__tile_overlayer_lowered;
	s6 =	simm.s32 $_tile_overlayer_lowered  }
0xa1: {  	s22 =	simm.s32 $0x1BFF;
	s21 =	sshll.u32 s6, $0x1;
	s3 =	sadd.s32 s19, s18  }
0xa2: {  	s7 =	simm.s32 $0x0;
	s20 =	sshll.u32 s5, $0x1;
	s5 =	sadd.s32 s21, s3  }
0xa3: {  	[timem:s7], [sflag:s22] =	dma.local [hbm:s5], s20  }
0xa4: {  	_ =	swait.ge [sflag:s22], s20  }
0xa5: {  	s4 =	ssub.s32 $0x0, s20;
	[sflag:s22] =	ssyncset.done $0x0  }
0xa6: {  	[sflag:s22] =	ssyncadd.s32 s4;
	_ =	sdelay $0x1  }
0xa7: {  	s23 =	simm.s32 $0x1B8B  }
0xa8: {  	_ =	swait.ge [sflag:s23], $0x1  }
0xa9: {  	[sflag:s23] =	ssyncset.done $0x0  }
0xaa: {  	s25 =	simm.s32 $0x1B8E;
	s24 =	sld [smem:$0x3FFE];
	[sflag:s23] =	ssyncadd.s32 $0xFFFFFFFF  }
0xab: {  	s26 =	simm.s32 $execute0_lowered;
	[smem:$0x3FD2] =	sst s25  }
0xac: {  	s5 =	sshll.u32 s26, $0x1;
	_ =	strace $0x8000004C;
	[dreg:$0x1] =	wrdreg $0xFFFFFFFF  }
0xad: {  	s28 =	simm.s32 $_size_execute0_lowered;
	s3 =	sadd.s32 s3, s5;
	[dreg:$0x0] =	wrdreg $0x0  }
0xae: {  	s5 =	sshll.u32 s28, $0x1;
	[dreg:$0x2] =	wrdreg s3  }
0xaf: {  	[dreg:$0x3] =	wrdreg s5  }
0xb0: {  	[dreg:$0x4] =	wrdreg $0xC0  }
0xb1: {  	_ =	task [dreg:s7], $0x5FFFF  }
0xb2: {  	[dreg:$0x1] =	wrdreg $0xFFFFFFFF  }
0xb3: {  	[dreg:$0x0] =	wrdreg $0x60  }
0xb4: {  	[dreg:$0x2] =	wrdreg s24  }
0xb5: {  	[dreg:$0x3] =	wrdreg s16  }
0xb6: {  	[dreg:$0x4] =	wrdreg $0x9  }
0xb7: {  	_ =	task.clear_ibuf [dreg:s7], $0x5FFFF;
	_ =	strace $0x9000004C  }
0xb8: {  	s29 =	simm.s32 $0x9;
	_ =	strace $0x8000004E  }
0xb9: {  	_ =	swait.ge [sflag:s29], $0x1  }
0xba: {  	[sflag:s29] =	ssyncadd.s32 $0xFFFFFFFF  }
0xbb: {  	_ =	strace $0x9000004E  }
0xbc: {  	_ =	sfence  }
0xbd: {  	s30 =	sld [smem:$0x0];
	_ =	sdelay $0x2  }
0xbe: {  	s31 =	sshll.u32 s1, $0xD;
	s1 =	sshrl.u32 s1, $0x2  }
0xbf: {  	s3 =	sand.u32 $0x4000, s31;
	s1 =	sadd.s32 s1, s30  }
0xc0: {  	s0 =	sor.u32 s3, s0;
	s1 =	sshll.u32 s1, $0x11  }
0xc1: {  	s0 =	sor.u32 s1, s0  }
0xc2: {  	s0 =	sadd.s32 $0x8F2B, s0  }
0xc3: {  	[sflag:s0] =	ssyncadd.remote.s32 $0x1  }
0xc4: {  	_ =	sfence.sel $0xFFFF  }
0xc5: {  	[dreg:$0x0] =	wrdreg $0xFFFFFFFF;
	(pc) =	sbr.abs _section_cstart, $3  }
0xc6: {  	[dreg:$0x1] =	wrdreg $0xFFFFFFFF  }
0xc7: {  	_ =	task.clear_ibuf [dreg:s7], $0x2FFFF;
	_ =	strace $0x9FFFFFFF  }
0xc8: {  	(tm) =	ssettm $0x7FFFFFFF  }
0xc9: {  	_ =	shalt  }
tec
execute0_lowered:
.L_overlay_start_1:
0x0: {  	(tag) =	ssettag $0x1  }
0x1: {  	s1 =	srdreg.scid;
	s5 =	rddreg [dreg:$0x0]  }
0x2: {  	s0 =	stileid.u32;
	s2 =	rddreg [dreg:$0x1];
	s6 =	simm.s32 $0x1  }
0x3: {  	s9 =	simm.s32 $0x1;
	s10 =	simm.s32 $0x3;
	s1 =	sshll.u32 s1, $0x9  }
0x4: {  	s13 =	simm.s32 $0x0;
	s3 =	sshll.u32 s0, $0xA;
	s4 =	sand.u32 $0x200, s1  }
0x5: {  	s12 =	simm.s32 $0x0;
	s1 =	rddreg [dreg:$0x2];
	s3 =	sor.u32 s3, s4  }
0x6: {  	_ =	strace $0x8000004D;
	s4 =	sadd.s32 $0x25000, s5;
	s8 =	ssub.s32 $0x8000, s3  }
.Ltmp0:
0x7: {  	s5 =	sadd.s32 $0x2000, s5;
	s7 =	sand.u32 $0x3E00, s8;
	(pc) =	sbr.rel .LBB2_1-.Ltmp0, $4  }
0x8: {  	[sflag:s6] =	ssyncpa.u1 $0x0;
	s11 =	smov.u32 s3;
	p0 =	sne.s32 s7, $0x0  }
0x9: {  	s8 =	sshrl.u32 s8, $0xE;
	s7 =	simm.s32 $0x2;
	s9 =	simm.s32 @!p0 $0x0  }
0xa: {  	[sflag:s7] =	ssyncpa.u1 $0x0;
	p0 =	por $0x0, $0x0;
	s8 =	sadd.s32 s9, s8  }
0xb: {  	vm0 =	vmmov $0xffff;
	[sflag:s10] =	ssyncpa.u1 $0x0;
	s10 =	simm.s32 $0x0;
	s9 =	sadd.s32 $0x1, s8  }
.LBB2_4:
0xc: {  	v2 =	vnsel vm1, $0x0, v2  }
0xd: {  	vm1 =	vgt.s32 v0, $0x0;
	v2 =	vmin.u32 v2, $0x10000  }
0xe: {  	v0 =	vnsel vm1, $0x0, v0  }
0xf: {  	v0 =	vmin.u32 v0, $0x10000  }
0x10: {  	[tilespmem:s15], [sflag:$0x1] =	stream.indirect_vreg.gather [hbm4b:s4+s10], $0x1, v1, vm0, $0x4038;
	[tilespmem:$0x800] =	vst v63  }
0x11: {  	(ifvalue) =	ssetifvalue $0x7FFFFFFF  }
0x12: {  	[tilespmem:s16], [sflag:$0x1] =	stream.indirect_vreg.gather [hbm4b:s4+s10], $0x1, v2, vm0, $0x4038;
	[tilespmem:$0x800] =	vst v63  }
0x13: {  	s29 =	sadd.s32 $0x10, s16;
	(ifvalue) =	ssetifvalue $0x7FFFFFFF  }
0x14: {  	[tilespmem:s29], [sflag:$0x1] =	stream.indirect_vreg.gather [hbm4b:s4+s10], $0x1, v0, vm0, $0x4038;
	[tilespmem:$0x800] =	vst v63  }
0x15: {  	_ =	swait.ge [sflag:s6], $0x200  }
0x16: {  	s30 =	sshrl.u32 s13, $0x3;
	[sflag:s6] =	ssyncset.done $0x0  }
0x17: {  	s31 =	sand.u32 $0x7, s13;
	s15 =	sadd.s32 s5, s30;
	[sflag:s6] =	ssyncadd.s32 $0xFFFFFE00  }
0x18: {  	[hbm4b:s15+s31] =	stream.linear.scatter [tilespmem:s14], [sflag:$0x3], $0x200, $0x38;
	[tilespmem:$0x800] =	vst v63  }
.LBB2_5:
0x19: {  	s15 =	sadd.s32 $0x4000, s11  }
0x1a: {  	p2 =	sgt.s32 s15, $0x7FFF  }
0x1b: {  	s15 =	smov.u32 @p2 s3;
	p2 =	sne.s32 s12, s9  }
.Ltmp1:
0x1c: {  	p1 =	slt.u32 s12, $0x2;
	(pc) =	sbr.rel @!p2 .LBB2_6-.Ltmp1, $4  }
0x1d: {  	s14 =	simm.s32 @!p1 $0x3  }
0x1e: {  	s16 =	sadd.s32 $0x1, s12;
	_ =	swait.ge @!p1 [sflag:s14], $0x200  }
0x1f: {  	s13 =	smov.u32 s11;
	p0 =	por !p0, !p0;
	[sflag:s14] =	ssyncset.done @!p1 $0x0  }
0x20: {  	s12 =	smov.u32 s16;
	s11 =	smov.u32 s15;
	[sflag:s14] =	ssyncadd.s32 @!p1 $0xFFFFFE00  }
.LBB2_1:
0x21: {  	p1 =	sge.u32 s12, s8  }
0x22: {  	s14 =	sxor.u32 @!p1 $0xFFFFFFFF, s12  }
0x23: {  	s31 =	sadd.s32 $0xFFFFFFFF, s12;
	s15 =	sshrl.u32 @!p1 s11, $0x3;
	s14 =	sshll.u32 @!p1 s14, $0x9  }
0x24: {  	s16 =	sand.u32 @!p1 $0x7, s11;
	s15 =	sadd.s32 @!p1 s2, s15;
	s14 =	sand.u32 @!p1 $0x200, s14  }
0x25: {  	[tilespmem:s14], [sflag:$0x2] =	stream.linear.gather @!p1 [hbm4b:s15+s16], $0x200, $0x38;
	[tilespmem:$0x800] =	vst v63  }
0x26: {  	p1 =	sge.u32 s31, s8  }
.Ltmp2:
0x27: {  	_ = 	snop;
	(pc) =	sbr.rel @p1 .LBB2_5-.Ltmp2, $1  }
0x28: {  	_ =	sdelay $0x3  }
0x29: {  	s14 =	simm.s32 $0x1  }
0x2a: {  	_ =	swait.ge [sflag:s7], $0x200;
	s14 =	simm.s32 @!p0 $0x0  }
0x2b: {  	[sflag:s7] =	ssyncset.done $0x0;
	s14 =	sshll.u32 s14, $0x9  }
0x2c: {  	[sflag:s7] =	ssyncadd.s32 $0xFFFFFE00;
	(ifvalue) =	ssetifvalue $0x7FFFFFFF;
	v0 =	vld.msk [tilespmem:s14+$0x0 ss:$0x1], $0xffff;
	_ =	sdelay $0x4  }
0x2d: {  	s15 =	sadd.s32 $0x10, s14;
	vm1 =	vgt.s32 v0, $0x0  }
0x2e: {  	v2 =	vld.msk [tilespmem:s15+$0x0 ss:$0x1], $0xffff;
	v1 =	vnsel vm1, $0x0, v0  }
0x2f: {  	v1 =	vmin.u32 v1, $0x10000;
	_ =	sdelay $0x1  }
0x30: {  	s16 =	sshll.u32 s12, $0x9;
	s18 =	simm.s32 $0x20  }
0x31: {  	s16 =	sand.u32 $0x200, s16;
	s17 =	sadd.s32 $0x10, s15;
	s15 =	sor.u32 $0x400, s14  }
0x32: {  	s14 =	sor.u32 $0x400, s16;
	s16 =	sadd.s32 $0x10, s15;
	v0 =	vld.msk [tilespmem:s17+$0x0 ss:$0x1], $0xffff;
	vm1 =	vgt.s32 v2, $0x0;
	(ifvalue) =	ssetifvalue $0x7FFFFFFF  }
.LBB2_3:
0x33: {  	[tilespmem:s15], [sflag:$0x1] =	stream.indirect_vreg.gather [hbm4b:s4+s10], $0x1, v1, vm0, $0x4038;
	[tilespmem:$0x800] =	vst v63  }
0x34: {  	s18 =	sadd.s32 $0x10, s18  }
0x35: {  	v2 =	vnsel vm1, $0x0, v2;
	p1 =	slt.u32 s18, $0x1F0  }
.Ltmp3:
0x36: {  	s15 =	smov.u32 s16;
	v1 =	vmin.u32 v2, $0x10000;
	(pc) =	sbr.rel @p1 .LBB2_3-.Ltmp3, $3  }
0x37: {  	_ =	sdelay $0x1  }
0x38: {  	s17 =	sadd.s32 $0x10, s17  }
0x39: {  	vm1 =	vgt.s32 v0, $0x0;
	s16 =	sadd.s32 $0x10, s16;
	v2 =	vmov v0;
	(ifvalue) =	ssetifvalue $0x7FFFFFFF;
	v0 =	vld.msk [tilespmem:s17+$0x0 ss:$0x1], $0xffff  }
.Ltmp4:
0x3a: {  	_ = 	snop;
	(pc) =	sbr.rel .LBB2_4-.Ltmp4, $1  }
0x3b: {  	_ =	sdelay $0x3  }
.LBB2_6:
0x3c: {  	_ =	sfence.sel $0x180000  }
0x3d: {  	s2 =	simm.s32 $0x2;
	[bflag:$0x0] =	sbarrier.arrive $0xFFFF  }
0x3e: {  	s30 =	simm.s32 $0x3;
	[sflag:s2] =	ssyncpa.u1 $0x1  }
0x3f: {  	s31 =	simm.s32 $0x1;
	[sflag:s30] =	ssyncpa.u1 $0x1  }
0x40: {  	[sflag:s31] =	ssyncpa.u1 $0x1  }
0x41: {  	p0 =	sne.s32 s0, $0x0;
	_ =	strace $0x9000004D  }
0x42: {  	s0 =	sadd.s32 @!p0 $0x100000, s1;
	[bflag:$0x2] =	sbarrier.arrive $0xFFFF  }
0x43: {  	[sflag:s0] =	ssyncadd.tile.s32 @!p0 $0x1;
	_ =	shalt  }
.Lfunc_end2:
_tile_overlayer_lowered:
.L_overlay_start_2:
0x44: {  	(tag) =	ssettag $0x2  }
0x45: {  	s0 =	rddreg [dreg:$0x0];
	s2 =	stileid.u32  }
0x46: {  	s1 =	rddreg [dreg:$0x1];
	p0 =	sne.s32 s2, $0x0  }
0x47: {  	s3 =	rddreg [dreg:$0x2];
	[bflag:$0x3] =	sbarrier.arrive $0xFFFF;
	s2 =	simm.s32 @!p0 $0x1C01  }
0x48: {  	[timem:s3], [sflag:s2] =	dma.local @!p0 [hbm:s0], s1  }
0x49: {  	s0 =	simm.s32 @!p0 $0x1  }
0x4a: {  	_ =	swait.ge @!p0 [sflag:s0], s1  }
0x4b: {  	s1 =	ssub.s32 @!p0 $0x0, s1;
	[sflag:s0] =	ssyncset.done @!p0 $0x0  }
0x4c: {  	[sflag:s0] =	ssyncadd.s32 @!p0 s1  }
0x4d: {  	[bflag:$0x3] =	sbarrier.arrive $0xFFFF  }
0x4e: {  	_ =	shalt  }

// kernel: gather_offload_async_start.2
scs
__scs_entry_jumppad:
0x0: {  	(pc) =	sbr.rel $0x88, $3  }
0x1: {  	(tag) =	ssettag $0x0;
	lr =	simm.s32 $0x1  }
0x2: {  	[smem:$0x3F93] =	sst lr;
	_ =	strace $0xD0000000  }
0x3: {  	_ = 	snop  }
0x4: {  	_ = 	snop  }
0x5: {  	_ = 	snop  }
0x6: {  	_ = 	snop  }
0x7: {  	_ = 	snop  }
__scs_overlays_trampoline_lowered:
0x8: {  	[smem:$0x3FA2] =	sst s0  }
0x9: {  	[smem:$0x3FA3] =	sst s1  }
0xa: {  	[smem:$0x3FA4] =	sst s2  }
0xb: {  	[smem:$0x3FA5] =	sst s3  }
0xc: {  	[smem:$0x3FA6] =	sst s4  }
0xd: {  	[smem:$0x3FA7] =	sst s5  }
0xe: {  	[smem:$0x3FA8] =	sst s6  }
0xf: {  	[smem:$0x3FA9] =	sst s7  }
0x10: {  	[smem:$0x3FAA] =	sst s8  }
0x11: {  	[smem:$0x3FAB] =	sst s9;
	s0 =	simm.s32 @!p0 $0x0  }
0x12: {  	s1 =	sld [smem:$0x3F91];
	s0 =	simm.s32 @p0 $0x1  }
0x13: {  	[smem:$0x3FAC] =	sst s0;
	s0 =	simm.s32 @!p1 $0x0  }
0x14: {  	s2 =	sld [smem:$0x3F90];
	s0 =	simm.s32 @p1 $0x1  }
0x15: {  	[smem:$0x3FAD] =	sst s0;
	s0 =	simm.s32 @!p2 $0x0  }
0x16: {  	s3 =	sld [smem:$0x3FDB];
	s0 =	simm.s32 @p2 $0x1  }
0x17: {  	s4 =	simm.s32 $0x1BF5;
	[smem:$0x3FAF] =	sst s0  }
0x18: {  	s0 =	sld [smem:$0x3F92];
	_ =	swait.ge [sflag:s4], $0x0  }
0x19: {  	s7 =	sld [smem:$0x3F93]  }
0x1a: {  	s8 =	sadd.s32 $0xFFFFE003, lr  }
0x1b: {  	s9 =	sadd.s32 $0xFFFFFEF7, lr;
	s5 =	simm.s32 $0xFFFFFFFF;
	p2 =	slt.u32 s8, $0xFFFFF086  }
0x1c: {  	p1 =	slt.u32 s9, $0xF7A;
	s5 =	simm.s32 @!p2 $0x0  }
0x1d: {  	s5 =	simm.s32 @p1 $0x1;
	p0 =	seq.s32 s7, s2  }
0x1e: {  	s7 =	smul.u32 @!p0 $0xF7A, s2;
	p2 =	seq.s32 @!p0 s5, $0x0  }
0x1f: {  	s9 =	smul.u32 $0xF7A, s1;
	s8 =	simm.s32 @!p0 $0x1BF5;
	p2 =	por !p2, p0  }
0x20: {  	[sflag:s8] =	ssyncset.s32 @!p0 $0xFFFFF086;
	s6 =	sadd.s32 @!p0 s3, s7;
	s7 =	simm.s32 @!p0 $0x108  }
0x21: {  	s3 =	sadd.s32 s3, s9;
	s6 =	sadd.s32 @!p0 $0x88, s6;
	s7 =	simm.s32 @p2 $0x1082  }
0x22: {  	[simem:s7], [sflag:s8] =	dma.local @!p0 [hbm:s6], $0xF7A  }
0x23: {  	s9 =	sor.u32 $0xD0000000, s2;
	s6 =	simm.s32 $0x108;
	_ =	swait.ge @!p0 [sflag:s8], $0x0  }
0x24: {  	s3 =	sadd.s32 $0x88, s3;
	s6 =	simm.s32 @!p1 $0x1082;
	[sflag:s4] =	ssyncset.s32 $0xFFFFF086  }
0x25: {  	[simem:s6], [sflag:s4] =	dma.local [hbm:s3], $0xF7A  }
0x26: {  	[smem:$0x3F93] =	sst s1;
	(tag) =	ssettag s2;
	_ =	strace s9  }
0x27: {  	s1 =	sld [smem:$0x3FA3]  }
0x28: {  	s2 =	sld [smem:$0x3FA4]  }
0x29: {  	s4 =	sld [smem:$0x3FA6]  }
0x2a: {  	p0 =	seq.s32 s5, $0x0;
	s5 =	sld [smem:$0x3FA7]  }
0x2b: {  	s6 =	sld [smem:$0x3FA8]  }
0x2c: {  	s7 =	sld [smem:$0x3FA9]  }
0x2d: {  	s3 =	simm.s32 $0x108;
	s8 =	sld [smem:$0x3FAA]  }
0x2e: {  	s3 =	simm.s32 @!p0 $0x1082;
	s9 =	sld [smem:$0x3FAB]  }
0x2f: {  	lr =	sadd.s32 s0, s3;
	s0 =	sld [smem:$0x3FA2]  }
0x30: {  	s3 =	sld [smem:$0x3FA5]  }
0x31: {  	[smem:$0x3FAE] =	sst s10  }
0x32: {  	s10 =	sld [smem:$0x3FAC];
	_ =	sdelay $0x3  }
0x33: {  	p0 =	seq.s32 s10, $0x1;
	s10 =	sld [smem:$0x3FAE];
	_ =	sdelay $0x3  }
0x34: {  	[smem:$0x3FAE] =	sst s10  }
0x35: {  	s10 =	sld [smem:$0x3FAD];
	_ =	sdelay $0x3  }
0x36: {  	p1 =	seq.s32 s10, $0x1;
	s10 =	sld [smem:$0x3FAE];
	_ =	sdelay $0x3  }
0x37: {  	[smem:$0x3FAE] =	sst s10  }
0x38: {  	s10 =	sld [smem:$0x3FAF]  }
0x39: {  	_ = 	snop;
	(pc) =	sbr.ind lr, $3  }
0x3a: {  	_ = 	snop  }
0x3b: {  	_ = 	snop  }
0x3c: {  	p2 =	seq.s32 s10, $0x1;
	s10 =	sld [smem:$0x3FAE]  }
0x3d: {  	_ =	shalt  }
0x3e: {  	_ =	shalt  }
0x3f: {  	_ =	shalt  }
0x40: {  	_ =	shalt  }
0x41: {  	_ =	shalt  }
0x42: {  	_ =	shalt  }
0x43: {  	_ =	shalt  }
0x44: {  	_ =	shalt  }
0x45: {  	_ =	shalt  }
0x46: {  	_ =	shalt  }
0x47: {  	_ =	shalt  }
0x48: {  	_ =	shalt  }
0x49: {  	_ =	shalt  }
0x4a: {  	_ =	shalt  }
0x4b: {  	_ =	shalt  }
0x4c: {  	_ =	shalt  }
0x4d: {  	_ =	shalt  }
0x4e: {  	_ =	shalt  }
0x4f: {  	_ =	shalt  }
0x50: {  	_ =	shalt  }
0x51: {  	_ =	shalt  }
0x52: {  	_ =	shalt  }
0x53: {  	_ =	shalt  }
0x54: {  	_ =	shalt  }
0x55: {  	_ =	shalt  }
0x56: {  	_ =	shalt  }
0x57: {  	_ =	shalt  }
0x58: {  	_ =	shalt  }
0x59: {  	_ =	shalt  }
0x5a: {  	_ =	shalt  }
0x5b: {  	_ =	shalt  }
0x5c: {  	_ =	shalt  }
0x5d: {  	_ =	shalt  }
0x5e: {  	_ =	shalt  }
0x5f: {  	_ =	shalt  }
0x60: {  	_ =	shalt  }
0x61: {  	_ =	shalt  }
0x62: {  	_ =	shalt  }
0x63: {  	_ =	shalt  }
0x64: {  	_ =	shalt  }
0x65: {  	_ =	shalt  }
0x66: {  	_ =	shalt  }
0x67: {  	_ =	shalt  }
0x68: {  	_ =	shalt  }
0x69: {  	_ =	shalt  }
0x6a: {  	_ =	shalt  }
0x6b: {  	_ =	shalt  }
0x6c: {  	_ =	shalt  }
0x6d: {  	_ =	shalt  }
0x6e: {  	_ =	shalt  }
0x6f: {  	_ =	shalt  }
0x70: {  	_ =	shalt  }
0x71: {  	_ =	shalt  }
0x72: {  	_ =	shalt  }
0x73: {  	_ =	shalt  }
0x74: {  	_ =	shalt  }
0x75: {  	_ =	shalt  }
0x76: {  	_ =	shalt  }
0x77: {  	_ =	shalt  }
0x78: {  	_ =	shalt  }
0x79: {  	_ =	shalt  }
0x7a: {  	_ =	shalt  }
0x7b: {  	_ =	shalt  }
0x7c: {  	_ =	shalt  }
0x7d: {  	_ =	shalt  }
0x7e: {  	_ =	shalt  }
0x7f: {  	_ =	shalt  }
0x80: {  	_ =	shalt  }
0x81: {  	_ =	shalt  }
0x82: {  	_ =	shalt  }
0x83: {  	_ =	shalt  }
0x84: {  	_ =	shalt  }
0x85: {  	_ =	shalt  }
0x86: {  	_ =	shalt  }
0x87: {  	_ =	shalt  }
.Lfunc_end0:
.L_simem_size_0:
called_computation.2_lowered:
.L_overlay_start_0:
0x88: {  	s2 =	sld [smem:$0x3FD9]  }
0x89: {  	s3 =	sld [smem:$0x3FFE];
	_ =	sdelay $0x1  }
0x8a: {  	s1 =	srdreg.scid  }
0x8b: {  	s0 =	sand.u32 $0x1, s1  }
0x8c: {  	s14 =	sshll.u32 s0, $0xA;
	s2 =	sadd.s32 s3, s2  }
0x8d: {  	s2 =	sadd.s32 s2, s14  }
0x8e: {  	[smem:$0x3FBA] =	sst s2  }
0x8f: {  	_ = 	snop  }
0x90: {  	s2 =	sld [smem:$0x3FD0];
	_ =	sdelay $0x2  }
0x91: {  	s15 =	simm.s32 $0xA;
	s4 =	simm.s32 $0x10  }
0x92: {  	[smem:s4], [sflag:s15] =	dma.local [hbm:s2], $0x1  }
0x93: {  	_ =	swait.eq [sflag:s15], $0x1  }
0x94: {  	[sflag:s15] =	ssyncset.done $0x0  }
0x95: {  	s16 =	sld [smem:$0x10];
	[sflag:s15] =	ssyncadd.s32 $0xFFFFFFFF  }
0x96: {  	s17 =	sld [smem:$0x11];
	(tm) =	ssettm $0x1  }
0x97: {  	s18 =	sld [smem:$0x3FFB];
	_ =	sdelay $0x3  }
0x98: {  	_ =	strace s18  }
0x99: {  	s4 =	sld [smem:$0x3FFC];
	_ =	sdelay $0x3  }
0x9a: {  	_ =	strace s4  }
0x9b: {  	s4 =	sld [smem:$0x3FFD];
	_ =	sdelay $0x3  }
0x9c: {  	_ =	strace s4  }
0x9d: {  	_ =	strace $0x8FFFFFFF  }
0x9e: {  	s19 =	sld [smem:$0x3FDB];
	_ =	sdelay $0x1  }
0x9f: {  	s5 =	simm.s32 $_scs_section_size  }
0xa0: {  	s6 =	simm.s32 $_size__tile_overlayer_lowered;
	s7 =	simm.s32 $_tile_overlayer_lowered  }
0xa1: {  	s22 =	simm.s32 $0x1BFF;
	s21 =	sshll.u32 s7, $0x1;
	s4 =	sadd.s32 s5, s19  }
0xa2: {  	s8 =	simm.s32 $0x0;
	s20 =	sshll.u32 s6, $0x1;
	s6 =	sadd.s32 s21, s4  }
0xa3: {  	[timem:s8], [sflag:s22] =	dma.local [hbm:s6], s20  }
0xa4: {  	_ =	swait.ge [sflag:s22], s20  }
0xa5: {  	s5 =	ssub.s32 $0x0, s20;
	[sflag:s22] =	ssyncset.done $0x0  }
0xa6: {  	[sflag:s22] =	ssyncadd.s32 s5;
	_ =	sdelay $0x1  }
0xa7: {  	s23 =	simm.s32 $0x1B8B  }
0xa8: {  	_ =	swait.ge [sflag:s23], $0x1  }
0xa9: {  	[sflag:s23] =	ssyncset.done $0x0  }
0xaa: {  	s25 =	simm.s32 $0x1B8E;
	s24 =	sld [smem:$0x3FFE];
	[sflag:s23] =	ssyncadd.s32 $0xFFFFFFFF  }
0xab: {  	s26 =	simm.s32 $execute0_lowered;
	[smem:$0x3FD2] =	sst s25  }
0xac: {  	s6 =	sshll.u32 s26, $0x1;
	_ =	strace $0x80000046;
	[dreg:$0x1] =	wrdreg $0xFFFFFFFF  }
0xad: {  	s28 =	simm.s32 $_size_execute0_lowered;
	s4 =	sadd.s32 s4, s6;
	[dreg:$0x0] =	wrdreg $0x0  }
0xae: {  	s6 =	sshll.u32 s28, $0x1;
	[dreg:$0x2] =	wrdreg s4  }
0xaf: {  	[dreg:$0x3] =	wrdreg s6  }
0xb0: {  	[dreg:$0x4] =	wrdreg $0xC0  }
0xb1: {  	_ =	task [dreg:s8], $0x5FFFF  }
0xb2: {  	[dreg:$0x1] =	wrdreg $0xFFFFFFFF  }
0xb3: {  	[dreg:$0x0] =	wrdreg $0x60  }
0xb4: {  	[dreg:$0x2] =	wrdreg s24  }
0xb5: {  	[dreg:$0x3] =	wrdreg s17  }
0xb6: {  	[dreg:$0x4] =	wrdreg s16  }
0xb7: {  	[dreg:$0x5] =	wrdreg $0x9  }
0xb8: {  	_ =	task.clear_ibuf [dreg:s8], $0x6FFFF;
	_ =	strace $0x90000046  }
0xb9: {  	s29 =	simm.s32 $0x9;
	_ =	strace $0x80000048  }
0xba: {  	_ =	swait.ge [sflag:s29], $0x1  }
0xbb: {  	[sflag:s29] =	ssyncadd.s32 $0xFFFFFFFF  }
0xbc: {  	_ =	strace $0x90000048  }
0xbd: {  	_ =	sfence  }
0xbe: {  	s30 =	sld [smem:$0x0];
	_ =	sdelay $0x2  }
0xbf: {  	s31 =	sshll.u32 s1, $0xD;
	s1 =	sshrl.u32 s1, $0x2  }
0xc0: {  	s3 =	sand.u32 $0x4000, s31;
	s1 =	sadd.s32 s1, s30  }
0xc1: {  	s0 =	sor.u32 s3, s0;
	s1 =	sshll.u32 s1, $0x11  }
0xc2: {  	s0 =	sor.u32 s1, s0  }
0xc3: {  	s0 =	sadd.s32 $0x8F2B, s0  }
0xc4: {  	[sflag:s0] =	ssyncadd.remote.s32 $0x1  }
0xc5: {  	_ =	sfence.sel $0xFFFF  }
0xc6: {  	[dreg:$0x0] =	wrdreg $0xFFFFFFFF;
	(pc) =	sbr.abs _section_cstart, $3  }
0xc7: {  	[dreg:$0x1] =	wrdreg $0xFFFFFFFF  }
0xc8: {  	_ =	task.clear_ibuf [dreg:s8], $0x2FFFF;
	_ =	strace $0x9FFFFFFF  }
0xc9: {  	(tm) =	ssettm $0x7FFFFFFF  }
tec
execute0_lowered:
.L_overlay_start_1:
0x0: {  	(tag) =	ssettag $0x1  }
0x1: {  	s1 =	srdreg.scid;
	s2 =	rddreg [dreg:$0x0]  }
0x2: {  	s0 =	stileid.u32;
	s3 =	rddreg [dreg:$0x1]  }
0x3: {  	s4 =	rddreg [dreg:$0x2];
	s6 =	simm.s32 $0x1;
	s1 =	sshll.u32 s1, $0x6  }
0x4: {  	s9 =	simm.s32 $0x1;
	s5 =	sshll.u32 s0, $0x7;
	s1 =	sand.u32 $0x40, s1  }
0x5: {  	s10 =	simm.s32 $0x3;
	s13 =	simm.s32 $0x0;
	s5 =	sor.u32 s5, s1  }
0x6: {  	s12 =	simm.s32 $0x0;
	s1 =	rddreg [dreg:$0x3];
	s8 =	ssub.s32 $0x1000, s5  }
.Ltmp0:
0x7: {  	_ =	strace $0x80000047;
	s7 =	sand.u32 $0x7C0, s8;
	(pc) =	sbr.rel .LBB2_1-.Ltmp0, $4  }
0x8: {  	[sflag:s6] =	ssyncpa.u1 $0x0;
	s11 =	smov.u32 s5;
	p0 =	sne.s32 s7, $0x0  }
0x9: {  	s8 =	sshrl.u32 s8, $0xB;
	s7 =	simm.s32 $0x2;
	s9 =	simm.s32 @!p0 $0x0  }
0xa: {  	[sflag:s7] =	ssyncpa.u1 $0x0;
	p0 =	por $0x0, $0x0;
	s8 =	sadd.s32 s9, s8  }
0xb: {  	vm0 =	vmmov $0xffff;
	[sflag:s10] =	ssyncpa.u1 $0x0;
	s10 =	simm.s32 $0x0;
	s9 =	sadd.s32 $0x1, s8  }
.LBB2_4:
0xc: {  	v5 =	vshll.u32 v1, $0x3  }
0xd: {  	vm1 =	veq.s32 v1, $0x80000000;
	v60 =	vand.u32 $0xF, v1;
	v5 =	vand.u32 $0x1FF80, v5  }
0xe: {  	v1 =	vsel vm1, $0xFFFFFFFF, v60;
	v5 =	vsel vm1, $0xFFFFFF80, v5  }
0xf: {  	v3 =	vor.u32 v4, v3;
	v6 =	vand.u32 $0xFFFFFC00, v1;
	v61 =	vand.u32 $0xFFFFFC00, v5  }
0x10: {  	v2 =	vor.u32 v2, v3;
	v63 =	vand.u32 $0x380, v5;
	v62 =	vadd.s32 v6, v61  }
0x11: {  	v1 =	vand.u32 $0x7F, v1;
	v3 =	vor.u32 v63, v62  }
0x12: {  	v1 =	vor.u32 v1, v3  }
0x13: {  	[tilespmem:s15], [sflag:$0x1] =	stream.indirect_vreg.gather [hbm4b:s2+s10], $0x1, v0, vm0, $0x4038;
	[tilespmem:$0x100] =	vst v63  }
0x14: {  	(ifvalue) =	ssetifvalue $0x7FFFFFFF  }
0x15: {  	[tilespmem:s16], [sflag:$0x1] =	stream.indirect_vreg.gather [hbm4b:s2+s10], $0x1, v2, vm0, $0x4038;
	[tilespmem:$0x100] =	vst v63  }
0x16: {  	s29 =	sadd.s32 $0x10, s16;
	(ifvalue) =	ssetifvalue $0x7FFFFFFF  }
0x17: {  	[tilespmem:s29], [sflag:$0x1] =	stream.indirect_vreg.gather [hbm4b:s2+s10], $0x1, v1, vm0, $0x4038;
	[tilespmem:$0x100] =	vst v63  }
0x18: {  	_ =	swait.ge [sflag:s6], $0x40  }
0x19: {  	s30 =	sshrl.u32 s13, $0x3;
	[sflag:s6] =	ssyncset.done $0x0  }
0x1a: {  	s31 =	sand.u32 $0x7, s13;
	s15 =	sadd.s32 s4, s30;
	[sflag:s6] =	ssyncadd.s32 $0xFFFFFFC0  }
0x1b: {  	[hbm4b:s15+s31] =	stream.linear.scatter [tilespmem:s14], [sflag:$0x3], $0x40, $0x38;
	[tilespmem:$0x100] =	vst v63  }
.LBB2_5:
0x1c: {  	s15 =	sadd.s32 $0x800, s11  }
0x1d: {  	p2 =	sgt.s32 s15, $0xFFF  }
0x1e: {  	s15 =	smov.u32 @p2 s5;
	p2 =	sne.s32 s12, s9  }
.Ltmp1:
0x1f: {  	p1 =	slt.u32 s12, $0x2;
	(pc) =	sbr.rel @!p2 .LBB2_6-.Ltmp1, $4  }
0x20: {  	s14 =	simm.s32 @!p1 $0x3  }
0x21: {  	s16 =	sadd.s32 $0x1, s12;
	_ =	swait.ge @!p1 [sflag:s14], $0x40  }
0x22: {  	s13 =	smov.u32 s11;
	p0 =	por !p0, !p0;
	[sflag:s14] =	ssyncset.done @!p1 $0x0  }
0x23: {  	s12 =	smov.u32 s16;
	s11 =	smov.u32 s15;
	[sflag:s14] =	ssyncadd.s32 @!p1 $0xFFFFFFC0  }
.LBB2_1:
0x24: {  	p1 =	sge.u32 s12, s8  }
0x25: {  	s14 =	sxor.u32 @!p1 $0xFFFFFFFF, s12  }
0x26: {  	s31 =	sadd.s32 $0xFFFFFFFF, s12;
	s15 =	sshrl.u32 @!p1 s11, $0x3;
	s14 =	sshll.u32 @!p1 s14, $0x6  }
0x27: {  	s16 =	sand.u32 @!p1 $0x7, s11;
	s15 =	sadd.s32 @!p1 s3, s15;
	s14 =	sand.u32 @!p1 $0x40, s14  }
0x28: {  	[tilespmem:s14], [sflag:$0x2] =	stream.linear.gather @!p1 [hbm4b:s15+s16], $0x40, $0x38;
	[tilespmem:$0x100] =	vst v63  }
0x29: {  	p1 =	sge.u32 s31, s8  }
.Ltmp2:
0x2a: {  	_ = 	snop;
	(pc) =	sbr.rel @p1 .LBB2_5-.Ltmp2, $1  }
0x2b: {  	_ =	sdelay $0x3  }
0x2c: {  	s14 =	simm.s32 $0x1  }
0x2d: {  	_ =	swait.ge [sflag:s7], $0x40;
	s14 =	simm.s32 @!p0 $0x0  }
0x2e: {  	[sflag:s7] =	ssyncset.done $0x0;
	s14 =	sshll.u32 s14, $0x6  }
0x2f: {  	[sflag:s7] =	ssyncadd.s32 $0xFFFFFFC0;
	(ifvalue) =	ssetifvalue $0x7FFFFFFF;
	v0 =	vld.msk [tilespmem:s14+$0x0 ss:$0x1], $0xffff;
	_ =	sdelay $0x4  }
0x30: {  	s15 =	sadd.s32 $0x10, s14;
	v2 =	vshll.u32 v0, $0x3  }
0x31: {  	v1 =	vld.msk [tilespmem:s15+$0x0 ss:$0x1], $0xffff;
	vm1 =	veq.s32 v0, $0x80000000;
	v0 =	vand.u32 $0xF, v0;
	v2 =	vand.u32 $0x1FF80, v2  }
0x32: {  	v0 =	vsel vm1, $0xFFFFFFFF, v0;
	v2 =	vsel vm1, $0xFFFFFF80, v2  }
0x33: {  	v3 =	vand.u32 $0x7F, v0;
	v0 =	vand.u32 $0xFFFFFC00, v0;
	v4 =	vand.u32 $0xFFFFFC00, v2  }
0x34: {  	v2 =	vand.u32 $0x380, v2;
	v0 =	vadd.s32 v0, v4  }
0x35: {  	v0 =	vor.u32 v2, v0  }
0x36: {  	v4 =	vshll.u32 v1, $0x3;
	v0 =	vor.u32 v3, v0  }
0x37: {  	s16 =	sshll.u32 s12, $0x6;
	vm1 =	veq.s32 v1, $0x80000000;
	v1 =	vand.u32 $0xF, v1;
	v4 =	vand.u32 $0x1FF80, v4  }
0x38: {  	s16 =	sand.u32 $0x40, s16;
	s18 =	sadd.s32 $0x10, s15;
	v2 =	vsel vm1, $0xFFFFFFFF, v1;
	v4 =	vsel vm1, $0xFFFFFF80, v4  }
0x39: {  	s17 =	simm.s32 $0x20;
	s15 =	sor.u32 $0x80, s14;
	s14 =	sor.u32 $0x80, s16;
	v1 =	vld.msk [tilespmem:s18+$0x0 ss:$0x1], $0xffff;
	v5 =	vand.u32 $0xFFFFFC00, v2;
	v3 =	vand.u32 $0xFFFFFC00, v4  }
0x3a: {  	s16 =	sadd.s32 $0x10, s15;
	s18 =	sadd.s32 $0x10, s18;
	(ifvalue) =	ssetifvalue $0x7FFFFFFF;
	v2 =	vand.u32 $0x7F, v2;
	v4 =	vand.u32 $0x380, v4;
	v3 =	vadd.s32 v5, v3  }
.LBB2_3:
0x3b: {  	[tilespmem:s15], [sflag:$0x1] =	stream.indirect_vreg.gather [hbm4b:s2+s10], $0x1, v0, vm0, $0x4038;
	[tilespmem:$0x100] =	vst v63  }
0x3c: {  	s17 =	sadd.s32 $0x10, s17  }
0x3d: {  	v3 =	vor.u32 v4, v3;
	p1 =	slt.u32 s17, $0x30  }
.Ltmp3:
0x3e: {  	v4 =	vshll.u32 v1, $0x3;
	s15 =	smov.u32 s16;
	v0 =	vor.u32 v2, v3;
	v2 =	vmov v1;
	v1 =	vld.msk [tilespmem:s18+$0x0 ss:$0x1], $0xffff;
	(pc) =	sbr.rel @p1 .LBB2_3-.Ltmp3, $4  }
0x3f: {  	v3 =	vand.u32 $0x1FF80, v4;
	vm1 =	veq.s32 v2, $0x80000000;
	v2 =	vand.u32 $0xF, v2  }
0x40: {  	v4 =	vsel vm1, $0xFFFFFFFF, v2;
	v5 =	vsel vm1, $0xFFFFFF80, v3  }
0x41: {  	v2 =	vand.u32 $0x7F, v4;
	v3 =	vand.u32 $0xFFFFFC00, v5;
	v4 =	vand.u32 $0xFFFFFC00, v4  }
0x42: {  	s16 =	sadd.s32 $0x10, s16;
	s18 =	sadd.s32 $0x10, s18;
	v3 =	vadd.s32 v4, v3;
	v4 =	vand.u32 $0x380, v5;
	(ifvalue) =	ssetifvalue $0x7FFFFFFF  }
.Ltmp4:
0x43: {  	_ = 	snop;
	(pc) =	sbr.rel .LBB2_4-.Ltmp4, $1  }
0x44: {  	_ =	sdelay $0x3  }
.LBB2_6:
0x45: {  	_ =	sfence.sel $0x180000  }
0x46: {  	s2 =	simm.s32 $0x2;
	[bflag:$0x0] =	sbarrier.arrive $0xFFFF  }
0x47: {  	s30 =	simm.s32 $0x3;
	[sflag:s2] =	ssyncpa.u1 $0x1  }
0x48: {  	s31 =	simm.s32 $0x1;
	[sflag:s30] =	ssyncpa.u1 $0x1  }
0x49: {  	[sflag:s31] =	ssyncpa.u1 $0x1  }
0x4a: {  	p0 =	sne.s32 s0, $0x0;
	_ =	strace $0x90000047  }
0x4b: {  	s0 =	sadd.s32 @!p0 $0x100000, s1;
	[bflag:$0x2] =	sbarrier.arrive $0xFFFF  }
0x4c: {  	[sflag:s0] =	ssyncadd.tile.s32 @!p0 $0x1;
	_ =	shalt  }
.Lfunc_end2:
_tile_overlayer_lowered:
.L_overlay_start_2:
0x4d: {  	(tag) =	ssettag $0x2  }
0x4e: {  	s0 =	rddreg [dreg:$0x0];
	s2 =	stileid.u32  }
0x4f: {  	s1 =	rddreg [dreg:$0x1];
	p0 =	sne.s32 s2, $0x0  }
0x50: {  	s3 =	rddreg [dreg:$0x2];
	[bflag:$0x3] =	sbarrier.arrive $0xFFFF;
	s2 =	simm.s32 @!p0 $0x1C01  }
0x51: {  	[timem:s3], [sflag:s2] =	dma.local @!p0 [hbm:s0], s1  }
0x52: {  	s0 =	simm.s32 @!p0 $0x1  }
0x53: {  	_ =	swait.ge @!p0 [sflag:s0], s1  }
0x54: {  	s1 =	ssub.s32 @!p0 $0x0, s1;
	[sflag:s0] =	ssyncset.done @!p0 $0x0  }
0x55: {  	[sflag:s0] =	ssyncadd.s32 @!p0 s1  }
0x56: {  	[bflag:$0x3] =	sbarrier.arrive $0xFFFF  }
0x57: {  	_ =	shalt  }

// kernel: gather_offload_async_start
scs
__scs_entry_jumppad:
0x0: {  	(pc) =	sbr.rel $0x88, $3  }
0x1: {  	(tag) =	ssettag $0x0;
	lr =	simm.s32 $0x1  }
0x2: {  	[smem:$0x3F93] =	sst lr;
	_ =	strace $0xD0000000  }
0x3: {  	_ = 	snop  }
0x4: {  	_ = 	snop  }
0x5: {  	_ = 	snop  }
0x6: {  	_ = 	snop  }
0x7: {  	_ = 	snop  }
__scs_overlays_trampoline_lowered:
0x8: {  	[smem:$0x3FA2] =	sst s0  }
0x9: {  	[smem:$0x3FA3] =	sst s1  }
0xa: {  	[smem:$0x3FA4] =	sst s2  }
0xb: {  	[smem:$0x3FA5] =	sst s3  }
0xc: {  	[smem:$0x3FA6] =	sst s4  }
0xd: {  	[smem:$0x3FA7] =	sst s5  }
0xe: {  	[smem:$0x3FA8] =	sst s6  }
0xf: {  	[smem:$0x3FA9] =	sst s7  }
0x10: {  	[smem:$0x3FAA] =	sst s8  }
0x11: {  	[smem:$0x3FAB] =	sst s9;
	s0 =	simm.s32 @!p0 $0x0  }
0x12: {  	s1 =	sld [smem:$0x3F91];
	s0 =	simm.s32 @p0 $0x1  }
0x13: {  	[smem:$0x3FAC] =	sst s0;
	s0 =	simm.s32 @!p1 $0x0  }
0x14: {  	s2 =	sld [smem:$0x3F90];
	s0 =	simm.s32 @p1 $0x1  }
0x15: {  	[smem:$0x3FAD] =	sst s0;
	s0 =	simm.s32 @!p2 $0x0  }
0x16: {  	s3 =	sld [smem:$0x3FDB];
	s0 =	simm.s32 @p2 $0x1  }
0x17: {  	s4 =	simm.s32 $0x1BF5;
	[smem:$0x3FAF] =	sst s0  }
0x18: {  	s0 =	sld [smem:$0x3F92];
	_ =	swait.ge [sflag:s4], $0x0  }
0x19: {  	s7 =	sld [smem:$0x3F93]  }
0x1a: {  	s8 =	sadd.s32 $0xFFFFE003, lr  }
0x1b: {  	s9 =	sadd.s32 $0xFFFFFEF7, lr;
	s5 =	simm.s32 $0xFFFFFFFF;
	p2 =	slt.u32 s8, $0xFFFFF086  }
0x1c: {  	p1 =	slt.u32 s9, $0xF7A;
	s5 =	simm.s32 @!p2 $0x0  }
0x1d: {  	s5 =	simm.s32 @p1 $0x1;
	p0 =	seq.s32 s7, s2  }
0x1e: {  	s7 =	smul.u32 @!p0 $0xF7A, s2;
	p2 =	seq.s32 @!p0 s5, $0x0  }
0x1f: {  	s9 =	smul.u32 $0xF7A, s1;
	s8 =	simm.s32 @!p0 $0x1BF5;
	p2 =	por !p2, p0  }
0x20: {  	[sflag:s8] =	ssyncset.s32 @!p0 $0xFFFFF086;
	s6 =	sadd.s32 @!p0 s3, s7;
	s7 =	simm.s32 @!p0 $0x108  }
0x21: {  	s3 =	sadd.s32 s3, s9;
	s6 =	sadd.s32 @!p0 $0x88, s6;
	s7 =	simm.s32 @p2 $0x1082  }
0x22: {  	[simem:s7], [sflag:s8] =	dma.local @!p0 [hbm:s6], $0xF7A  }
0x23: {  	s9 =	sor.u32 $0xD0000000, s2;
	s6 =	simm.s32 $0x108;
	_ =	swait.ge @!p0 [sflag:s8], $0x0  }
0x24: {  	s3 =	sadd.s32 $0x88, s3;
	s6 =	simm.s32 @!p1 $0x1082;
	[sflag:s4] =	ssyncset.s32 $0xFFFFF086  }
0x25: {  	[simem:s6], [sflag:s4] =	dma.local [hbm:s3], $0xF7A  }
0x26: {  	[smem:$0x3F93] =	sst s1;
	(tag) =	ssettag s2;
	_ =	strace s9  }
0x27: {  	s1 =	sld [smem:$0x3FA3]  }
0x28: {  	s2 =	sld [smem:$0x3FA4]  }
0x29: {  	s4 =	sld [smem:$0x3FA6]  }
0x2a: {  	p0 =	seq.s32 s5, $0x0;
	s5 =	sld [smem:$0x3FA7]  }
0x2b: {  	s6 =	sld [smem:$0x3FA8]  }
0x2c: {  	s7 =	sld [smem:$0x3FA9]  }
0x2d: {  	s3 =	simm.s32 $0x108;
	s8 =	sld [smem:$0x3FAA]  }
0x2e: {  	s3 =	simm.s32 @!p0 $0x1082;
	s9 =	sld [smem:$0x3FAB]  }
0x2f: {  	lr =	sadd.s32 s0, s3;
	s0 =	sld [smem:$0x3FA2]  }
0x30: {  	s3 =	sld [smem:$0x3FA5]  }
0x31: {  	[smem:$0x3FAE] =	sst s10  }
0x32: {  	s10 =	sld [smem:$0x3FAC];
	_ =	sdelay $0x3  }
0x33: {  	p0 =	seq.s32 s10, $0x1;
	s10 =	sld [smem:$0x3FAE];
	_ =	sdelay $0x3  }
0x34: {  	[smem:$0x3FAE] =	sst s10  }
0x35: {  	s10 =	sld [smem:$0x3FAD];
	_ =	sdelay $0x3  }
0x36: {  	p1 =	seq.s32 s10, $0x1;
	s10 =	sld [smem:$0x3FAE];
	_ =	sdelay $0x3  }
0x37: {  	[smem:$0x3FAE] =	sst s10  }
0x38: {  	s10 =	sld [smem:$0x3FAF]  }
0x39: {  	_ = 	snop;
	(pc) =	sbr.ind lr, $3  }
0x3a: {  	_ = 	snop  }
0x3b: {  	_ = 	snop  }
0x3c: {  	p2 =	seq.s32 s10, $0x1;
	s10 =	sld [smem:$0x3FAE]  }
0x3d: {  	_ =	shalt  }
0x3e: {  	_ =	shalt  }
0x3f: {  	_ =	shalt  }
0x40: {  	_ =	shalt  }
0x41: {  	_ =	shalt  }
0x42: {  	_ =	shalt  }
0x43: {  	_ =	shalt  }
0x44: {  	_ =	shalt  }
0x45: {  	_ =	shalt  }
0x46: {  	_ =	shalt  }
0x47: {  	_ =	shalt  }
0x48: {  	_ =	shalt  }
0x49: {  	_ =	shalt  }
0x4a: {  	_ =	shalt  }
0x4b: {  	_ =	shalt  }
0x4c: {  	_ =	shalt  }
0x4d: {  	_ =	shalt  }
0x4e: {  	_ =	shalt  }
0x4f: {  	_ =	shalt  }
0x50: {  	_ =	shalt  }
0x51: {  	_ =	shalt  }
0x52: {  	_ =	shalt  }
0x53: {  	_ =	shalt  }
0x54: {  	_ =	shalt  }
0x55: {  	_ =	shalt  }
0x56: {  	_ =	shalt  }
0x57: {  	_ =	shalt  }
0x58: {  	_ =	shalt  }
0x59: {  	_ =	shalt  }
0x5a: {  	_ =	shalt  }
0x5b: {  	_ =	shalt  }
0x5c: {  	_ =	shalt  }
0x5d: {  	_ =	shalt  }
0x5e: {  	_ =	shalt  }
0x5f: {  	_ =	shalt  }
0x60: {  	_ =	shalt  }
0x61: {  	_ =	shalt  }
0x62: {  	_ =	shalt  }
0x63: {  	_ =	shalt  }
0x64: {  	_ =	shalt  }
0x65: {  	_ =	shalt  }
0x66: {  	_ =	shalt  }
0x67: {  	_ =	shalt  }
0x68: {  	_ =	shalt  }
0x69: {  	_ =	shalt  }
0x6a: {  	_ =	shalt  }
0x6b: {  	_ =	shalt  }
0x6c: {  	_ =	shalt  }
0x6d: {  	_ =	shalt  }
0x6e: {  	_ =	shalt  }
0x6f: {  	_ =	shalt  }
0x70: {  	_ =	shalt  }
0x71: {  	_ =	shalt  }
0x72: {  	_ =	shalt  }
0x73: {  	_ =	shalt  }
0x74: {  	_ =	shalt  }
0x75: {  	_ =	shalt  }
0x76: {  	_ =	shalt  }
0x77: {  	_ =	shalt  }
0x78: {  	_ =	shalt  }
0x79: {  	_ =	shalt  }
0x7a: {  	_ =	shalt  }
0x7b: {  	_ =	shalt  }
0x7c: {  	_ =	shalt  }
0x7d: {  	_ =	shalt  }
0x7e: {  	_ =	shalt  }
0x7f: {  	_ =	shalt  }
0x80: {  	_ =	shalt  }
0x81: {  	_ =	shalt  }
0x82: {  	_ =	shalt  }
0x83: {  	_ =	shalt  }
0x84: {  	_ =	shalt  }
0x85: {  	_ =	shalt  }
0x86: {  	_ =	shalt  }
0x87: {  	_ =	shalt  }
.Lfunc_end0:
.L_simem_size_0:
called_computation_lowered:
.L_overlay_start_0:
0x88: {  	s2 =	sld [smem:$0x3FD9]  }
0x89: {  	s3 =	sld [smem:$0x3FFE];
	_ =	sdelay $0x1  }
0x8a: {  	s1 =	srdreg.scid  }
0x8b: {  	s0 =	sand.u32 $0x1, s1  }
0x8c: {  	s14 =	sshll.u32 s0, $0xA;
	s2 =	sadd.s32 s3, s2  }
0x8d: {  	s2 =	sadd.s32 s2, s14  }
0x8e: {  	[smem:$0x3FBA] =	sst s2  }
0x8f: {  	_ = 	snop  }
0x90: {  	s2 =	sld [smem:$0x3FD0];
	_ =	sdelay $0x2  }
0x91: {  	s15 =	simm.s32 $0xA;
	s4 =	simm.s32 $0x10  }
0x92: {  	[smem:s4], [sflag:s15] =	dma.local [hbm:s2], $0x1  }
0x93: {  	_ =	swait.eq [sflag:s15], $0x1  }
0x94: {  	[sflag:s15] =	ssyncset.done $0x0  }
0x95: {  	[sflag:s15] =	ssyncadd.s32 $0xFFFFFFFF  }
0x96: {  	s16 =	sld [smem:$0x11];
	(tm) =	ssettm $0x1  }
0x97: {  	s17 =	sld [smem:$0x3FFB];
	_ =	sdelay $0x3  }
0x98: {  	_ =	strace s17  }
0x99: {  	s3 =	sld [smem:$0x3FFC];
	_ =	sdelay $0x3  }
0x9a: {  	_ =	strace s3  }
0x9b: {  	s3 =	sld [smem:$0x3FFD];
	_ =	sdelay $0x3  }
0x9c: {  	_ =	strace s3  }
0x9d: {  	_ =	strace $0x8FFFFFFF  }
0x9e: {  	s18 =	sld [smem:$0x3FDB];
	_ =	sdelay $0x1  }
0x9f: {  	s19 =	simm.s32 $_scs_section_size  }
0xa0: {  	s5 =	simm.s32 $_size__tile_overlayer_lowered;
	s6 =	simm.s32 $_tile_overlayer_lowered  }
0xa1: {  	s22 =	simm.s32 $0x1BFF;
	s21 =	sshll.u32 s6, $0x1;
	s3 =	sadd.s32 s19, s18  }
0xa2: {  	s7 =	simm.s32 $0x0;
	s20 =	sshll.u32 s5, $0x1;
	s5 =	sadd.s32 s21, s3  }
0xa3: {  	[timem:s7], [sflag:s22] =	dma.local [hbm:s5], s20  }
0xa4: {  	_ =	swait.ge [sflag:s22], s20  }
0xa5: {  	s4 =	ssub.s32 $0x0, s20;
	[sflag:s22] =	ssyncset.done $0x0  }
0xa6: {  	[sflag:s22] =	ssyncadd.s32 s4;
	_ =	sdelay $0x1  }
0xa7: {  	s23 =	simm.s32 $0x1B8B  }
0xa8: {  	_ =	swait.ge [sflag:s23], $0x1  }
0xa9: {  	[sflag:s23] =	ssyncset.done $0x0  }
0xaa: {  	s25 =	simm.s32 $0x1B8E;
	s24 =	sld [smem:$0x3FFE];
	[sflag:s23] =	ssyncadd.s32 $0xFFFFFFFF  }
0xab: {  	s26 =	simm.s32 $execute0_lowered;
	[smem:$0x3FD2] =	sst s25  }
0xac: {  	s5 =	sshll.u32 s26, $0x1;
	_ =	strace $0x80000049;
	[dreg:$0x1] =	wrdreg $0xFFFFFFFF  }
0xad: {  	s28 =	simm.s32 $_size_execute0_lowered;
	s3 =	sadd.s32 s3, s5;
	[dreg:$0x0] =	wrdreg $0x0  }
0xae: {  	s5 =	sshll.u32 s28, $0x1;
	[dreg:$0x2] =	wrdreg s3  }
0xaf: {  	[dreg:$0x3] =	wrdreg s5  }
0xb0: {  	[dreg:$0x4] =	wrdreg $0xC0  }
0xb1: {  	_ =	task [dreg:s7], $0x5FFFF  }
0xb2: {  	[dreg:$0x1] =	wrdreg $0xFFFFFFFF  }
0xb3: {  	[dreg:$0x0] =	wrdreg $0x60  }
0xb4: {  	[dreg:$0x2] =	wrdreg s24  }
0xb5: {  	[dreg:$0x3] =	wrdreg s16  }
0xb6: {  	[dreg:$0x4] =	wrdreg $0x9  }
0xb7: {  	_ =	task.clear_ibuf [dreg:s7], $0x5FFFF;
	_ =	strace $0x90000049  }
0xb8: {  	s29 =	simm.s32 $0x9;
	_ =	strace $0x8000004B  }
0xb9: {  	_ =	swait.ge [sflag:s29], $0x1  }
0xba: {  	[sflag:s29] =	ssyncadd.s32 $0xFFFFFFFF  }
0xbb: {  	_ =	strace $0x9000004B  }
0xbc: {  	_ =	sfence  }
0xbd: {  	s30 =	sld [smem:$0x0];
	_ =	sdelay $0x2  }
0xbe: {  	s31 =	sshll.u32 s1, $0xD;
	s1 =	sshrl.u32 s1, $0x2  }
0xbf: {  	s3 =	sand.u32 $0x4000, s31;
	s1 =	sadd.s32 s1, s30  }
0xc0: {  	s0 =	sor.u32 s3, s0;
	s1 =	sshll.u32 s1, $0x11  }
0xc1: {  	s0 =	sor.u32 s1, s0  }
0xc2: {  	s0 =	sadd.s32 $0x8F2B, s0  }
0xc3: {  	[sflag:s0] =	ssyncadd.remote.s32 $0x1  }
0xc4: {  	_ =	sfence.sel $0xFFFF  }
0xc5: {  	[dreg:$0x0] =	wrdreg $0xFFFFFFFF;
	(pc) =	sbr.abs _section_cstart, $3  }
0xc6: {  	[dreg:$0x1] =	wrdreg $0xFFFFFFFF  }
0xc7: {  	_ =	task.clear_ibuf [dreg:s7], $0x2FFFF;
	_ =	strace $0x9FFFFFFF  }
0xc8: {  	(tm) =	ssettm $0x7FFFFFFF  }
0xc9: {  	_ =	shalt  }
tec
execute0_lowered:
.L_overlay_start_1:
0x0: {  	(tag) =	ssettag $0x1  }
0x1: {  	s7 =	rddreg [dreg:$0x0]  }
0x2: {  	s2 =	rddreg [dreg:$0x1]  }
0x3: {  	s0 =	rddreg [dreg:$0x2]  }
0x4: {  	s1 =	srdreg.scid;
	_ =	strace $0x8000004A;
	s4 =	simm.s32 $0x1  }
0x5: {  	s9 =	simm.s32 $0x3;
	s12 =	simm.s32 $0x0;
	s5 =	sshll.u32 s1, $0x4  }
.Ltmp0:
0x6: {  	s1 =	stileid.u32;
	s5 =	sand.u32 $0x10, s5;
	(pc) =	sbr.rel .LBB2_1-.Ltmp0, $4  }
0x7: {  	s10 =	simm.s32 $0x0;
	s3 =	sadd.s32 $0x4000, s7;
	s6 =	sor.u32 s1, s5  }
0x8: {  	[sflag:s4] =	ssyncpa.u1 $0x0;
	s5 =	simm.s32 $0x2;
	s6 =	sshll.u32 s6, $0x7  }
0x9: {  	s7 =	sadd.s32 $0x27200, s7;
	[sflag:s5] =	ssyncpa.u1 $0x0;
	s8 =	sadd.s32 $0x80, s6  }
0xa: {  	vm0 =	vmmov $0xff;
	vm1 =	vcmask $0x3F20;
	[sflag:s9] =	ssyncpa.u1 $0x0;
	s9 =	simm.s32 $0x80;
	s11 =	smov.u32 s6  }
.LBB2_9:
0xb: {  	p0 =	seq.s32 s10, $0x2  }
.Ltmp1:
0xc: {  	_ = 	snop;
	(pc) =	sbr.rel @p0 .LBB2_11-.Ltmp1, $1  }
0xd: {  	_ =	sdelay $0x3  }
.LBB2_10:
0xe: {  	s12 =	sadd.s32 $0x80, s11  }
0xf: {  	s13 =	smov.u32 s6;
	p0 =	slt.s32 s12, s8  }
0x10: {  	s13 =	smov.u32 @p0 s12  }
0x11: {  	s10 =	sadd.s32 $0x1, s10;
	s12 =	smov.u32 s11;
	s11 =	smov.u32 s13  }
.LBB2_1:
0x12: {  	p0 =	sne.s32 s10, $0x0  }
.Ltmp2:
0x13: {  	_ = 	snop;
	(pc) =	sbr.rel @!p0 .LBB2_2-.Ltmp2, $1  }
0x14: {  	_ =	sdelay $0x3  }
0x15: {  	s13 =	sand.u32 $0x1, s10  }
0x16: {  	p0 =	seq.s32 s13, $0x0  }
.Ltmp3:
0x17: {  	_ = 	snop;
	(pc) =	sbr.rel @p0 .LBB2_9-.Ltmp3, $1  }
0x18: {  	_ =	sdelay $0x3  }
0x19: {  	_ =	swait.ge [sflag:s5], $0x80  }
0x1a: {  	[sflag:s5] =	ssyncset.done $0x0  }
0x1b: {  	s13 =	simm.s32 $0x0;
	[sflag:s5] =	ssyncadd.s32 $0xFFFFFF80  }
0x1c: {  	v0 =	vld.msk [tilespmem:s13+$0x80 ss:$0x1], $0xffff;
	_ =	sdelay $0x4  }
0x1d: {  	vm2 =	vgt.s32 v0, $0x0  }
0x1e: {  	v0 =	vnsel vm2, $0x0, v0  }
0x1f: {  	v0 =	vmin.u32 v0, $0x1FFF  }
0x20: {  	v0 =	vshll.u32 v0, $0x4;
	_ =	sdelay $0x3  }
0x21: {  	s13 =	simm.s32 $0x4100  }
0x22: {  	[tilespmem:s13], [sflag:$0x1] =	stream.indirect_vreg.gather [hbm:s3], $0x80, v0, vm0, $0x38;
	[tilespmem:$0x8100] =	vst v63  }
0x23: {  	s14 =	simm.s32 $0x4500;
	s31 =	simm.s32 $0x10  }
0x24: {  	[tilespmem:s14], [sflag:$0x1] =	stream.indirect_vreg.gather [hbm:s3], $0x80, v0, vm1, $0x38;
	[tilespmem:$0x8100] =	vst v63  }
0x25: {  	s14 =	simm.s32 $0x80;
	v0 =	vld.msk [tilespmem:s31+$0x80 ss:$0x1], $0xffff  }
.LBB2_5:
0x26: {  	p0 =	sne.s32 s14, $0x1C0;
	_ =	sdelay $0x4  }
0x27: {  	vm2 =	vgt.s32 v0, $0x0  }
0x28: {  	v0 =	vnsel vm2, $0x0, v0  }
0x29: {  	v0 =	vmin.u32 v0, $0x1FFF  }
0x2a: {  	v0 =	vshll.u32 v0, $0x4;
	_ =	sdelay $0x3  }
.Ltmp4:
0x2b: {  	s13 =	sadd.s32 $0x800, s13;
	(pc) =	sbr.rel @p0 .LBB2_5-.Ltmp4, $4  }
0x2c: {  	[tilespmem:s13], [sflag:$0x1] =	stream.indirect_vreg.gather [hbm:s3], $0x80, v0, vm0, $0x38;
	[tilespmem:$0x8100] =	vst v63  }
0x2d: {  	s15 =	sshra.s32 s14, $0x2;
	s16 =	sadd.s32 $0x400, s13  }
0x2e: {  	[tilespmem:s16], [sflag:$0x1] =	stream.indirect_vreg.gather [hbm:s3], $0x80, v0, vm1, $0x38;
	[tilespmem:$0x8100] =	vst v63  }
0x2f: {  	s14 =	sadd.s32 $0x40, s14;
	v0 =	vld.msk [tilespmem:s15+$0x80 ss:$0x1], $0xffff  }
0x30: {  	_ =	sdelay $0x3  }
0x31: {  	vm2 =	vgt.s32 v0, $0x0  }
0x32: {  	v0 =	vnsel vm2, $0x0, v0  }
0x33: {  	v0 =	vmin.u32 v0, $0x1FFF  }
0x34: {  	v0 =	vshll.u32 v0, $0x4;
	_ =	sdelay $0x3  }
0x35: {  	s13 =	sadd.s32 $0x800, s13  }
0x36: {  	[tilespmem:s13], [sflag:$0x1] =	stream.indirect_vreg.gather [hbm:s3], $0x80, v0, vm0, $0x38;
	[tilespmem:$0x8100] =	vst v63  }
0x37: {  	s13 =	sadd.s32 $0x400, s13  }
0x38: {  	[tilespmem:s13], [sflag:$0x1] =	stream.indirect_vreg.gather [hbm:s3], $0x80, v0, vm1, $0x38;
	[tilespmem:$0x8100] =	vst v63  }
0x39: {  	s12 =	sshll.u32 s12, $0x4;
	s14 =	simm.s32 $0x80;
	_ =	swait.ge [sflag:s4], $0x4000  }
0x3a: {  	s15 =	simm.s32 $0x4500;
	s12 =	sadd.s32 s12, s7;
	[sflag:s4] =	ssyncset.done $0x0  }
0x3b: {  	s16 =	sadd.s32 $0x0, s12;
	s13 =	simm.s32 $0x4100;
	[sflag:s4] =	ssyncadd.s32 $0xFFFFC000  }
.LBB2_7:
0x3c: {  	[hbm:s16] =	stream.linear.scatter [tilespmem:s13], [sflag:$0x3], $0x400, $0x38;
	[tilespmem:$0x8100] =	vst v63  }
0x3d: {  	s16 =	smov.u32 s14;
	s13 =	smov.u32 s15;
	p0 =	sne.s32 s14, $0x780  }
.Ltmp5:
0x3e: {  	s14 =	sadd.s32 $0x80, s14;
	(pc) =	sbr.rel @p0 .LBB2_7-.Ltmp5, $2  }
0x3f: {  	_ =	sdelay $0x2  }
0x40: {  	s15 =	sadd.s32 $0x400, s15;
	s16 =	sadd.s32 s16, s12  }
.Ltmp6:
0x41: {  	(pc) =	sbr.rel .LBB2_9-.Ltmp6, $2  }
0x42: {  	_ =	sdelay $0x2  }
0x43: {  	[hbm:s16] =	stream.linear.scatter [tilespmem:s13], [sflag:$0x3], $0x400, $0x38;
	[tilespmem:$0x8100] =	vst v63  }
.LBB2_2:
.Ltmp7:
0x44: {  	(pc) =	sbr.rel .LBB2_10-.Ltmp7, $4  }
0x45: {  	_ = 	snop  }
0x46: {  	s12 =	sshrl.u32 s11, $0x3  }
0x47: {  	s13 =	sand.u32 $0x7, s11;
	s12 =	sadd.s32 s2, s12  }
0x48: {  	[tilespmem:s9], [sflag:$0x2] =	stream.linear.gather [hbm4b:s12+s13], $0x80, $0x38;
	[tilespmem:$0x8100] =	vst v63  }
.LBB2_11:
0x49: {  	s2 =	simm.s32 $0x3  }
0x4a: {  	_ =	swait.ge [sflag:s2], $0x4000  }
0x4b: {  	[sflag:s2] =	ssyncset.done $0x0  }
0x4c: {  	[sflag:s2] =	ssyncadd.s32 $0xFFFFC000  }
0x4d: {  	_ =	sfence.sel $0x180000  }
0x4e: {  	s3 =	simm.s32 $0x2;
	[bflag:$0x0] =	sbarrier.arrive $0xFFFF  }
0x4f: {  	[sflag:s3] =	ssyncpa.u1 $0x1  }
0x50: {  	s31 =	simm.s32 $0x1;
	[sflag:s2] =	ssyncpa.u1 $0x1  }
0x51: {  	[sflag:s31] =	ssyncpa.u1 $0x1  }
0x52: {  	p0 =	sne.s32 s1, $0x0;
	_ =	strace $0x9000004A  }
0x53: {  	s0 =	sadd.s32 @!p0 $0x100000, s0;
	[bflag:$0x2] =	sbarrier.arrive $0xFFFF  }
0x54: {  	[sflag:s0] =	ssyncadd.tile.s32 @!p0 $0x1;
	_ =	shalt  }
.Lfunc_end2:
_tile_overlayer_lowered:
.L_overlay_start_2:
0x55: {  	(tag) =	ssettag $0x2  }
0x56: {  	s0 =	rddreg [dreg:$0x0];
	s2 =	stileid.u32  }
0x57: {  	s1 =	rddreg [dreg:$0x1];
	p0 =	sne.s32 s2, $0x0  }
0x58: {  	s3 =	rddreg [dreg:$0x2];
	[bflag:$0x3] =	sbarrier.arrive $0xFFFF;
	s2 =	simm.s32 @!p0 $0x1C01  }
0x59: {  	[timem:s3], [sflag:s2] =	dma.local @!p0 [hbm:s0], s1  }
0x5a: {  	s0 =	simm.s32 @!p0 $0x1  }
0x5b: {  	_ =	swait.ge @!p0 [sflag:s0], s1  }
0x5c: {  	s1 =	ssub.s32 @!p0 $0x0, s1;
	[sflag:s0] =	ssyncset.done @!p0 $0x0  }
0x5d: {  	[sflag:s0] =	ssyncadd.s32 @!p0 s1  }
0x5e: {  	[bflag:$0x3] =	sbarrier.arrive $0xFFFF  }
0x5f: {  	_ =	shalt  }

</sc_bundles>
